<compile_context>
chip_gen: v7x
topology: tpu7x:2x2x1
jax: 0.10.2.dev20260603
libtpu: 0.0.44.dev20260713+nightly
codegen_flags: <defaults>
</compile_context>

<pallas_src>
import jax
import jax.numpy as jnp
from jax import lax
from jax.experimental import pallas as pl
from jax.experimental.pallas import tpu as pltpu
from jax.experimental.pallas import tpu_sc as plsc

_VOCAB = 1000
_ROWS = 4096
_COLS = 20
_NC = 2
_NS = 16
_NW = _NC * _NS
_RPW = _ROWS // _NW
_CH = 2
_NCHUNK = _RPW // _CH
_NPAIR = _NCHUNK // 2
_IPC = _CH * _COLS
_IPW = _RPW * _COLS
_L = 16
_NG = (_IPC + _L - 1) // _L


def _onehot_sc(x_hbm, zeros_hbm, out_hbm, bufA, bufB, idxall, semA, semB):
    wid = lax.axis_index("s") * _NC + lax.axis_index("c")
    pltpu.sync_copy(zeros_hbm, bufA)
    pltpu.sync_copy(zeros_hbm, bufB)
    pltpu.sync_copy(x_hbm.at[pl.ds(wid * _IPW, _IPW)], idxall)
    ones = jnp.full((_L,), 1.0, jnp.float32)
    zeros = jnp.zeros((_L,), jnp.float32)

    def group_ij(g):
        lin = g * _L + lax.iota(jnp.int32, _L)
        mask = lin < _IPC
        lin = jnp.where(mask, lin, 0)
        i_loc = jnp.zeros((_L,), jnp.int32)
        for t in range(1, _CH):
            i_loc = i_loc + (lin >= t * _COLS).astype(jnp.int32)
        j_loc = lin - i_loc * _COLS
        return i_loc, j_loc, mask

    def put(buf, c, vals):
        for g in range(_NG):
            i_loc, j_loc, mask = group_ij(g)
            cols = idxall[pl.ds(c * _IPC + g * _L, _L)]
            plsc.store_scatter(buf, [i_loc, j_loc, cols], vals, mask=mask)

    def pair(p, _):
        for s, buf, sem in ((0, bufA, semA), (1, bufB, semB)):
            c = 2 * p + s
            base = wid * _RPW + c * _CH

            @pl.when(p > 0)
            def _():
                pltpu.make_async_copy(
                    buf, out_hbm.at[pl.ds(base, _CH)], sem).wait()
                put(buf, c - 2, zeros)

            put(buf, c, ones)
            pltpu.async_copy(buf, out_hbm.at[pl.ds(base, _CH)], sem)
        return ()

    lax.fori_loop(0, _NPAIR, pair, ())
    pltpu.make_async_copy(bufA, out_hbm.at[pl.ds(0, _CH)], semA).wait()
    pltpu.make_async_copy(bufB, out_hbm.at[pl.ds(0, _CH)], semB).wait()


def kernel(x):
    xf = x.reshape(_ROWS * _COLS)
    zeros = jnp.zeros((_CH, _COLS, _VOCAB), jnp.float32)
    run = pl.kernel(
        _onehot_sc,
        out_type=jax.ShapeDtypeStruct((_ROWS, _COLS, _VOCAB), jnp.float32),
        mesh=plsc.VectorSubcoreMesh(core_axis_name="c", subcore_axis_name="s"),
        scratch_types=[
            pltpu.VMEM((_CH, _COLS, _VOCAB), jnp.float32),
            pltpu.VMEM((_CH, _COLS, _VOCAB), jnp.float32),
            pltpu.VMEM((_IPW,), jnp.int32),
            pltpu.SemaphoreType.DMA,
            pltpu.SemaphoreType.DMA,
        ],
        compiler_params=pltpu.CompilerParams(needs_layout_passes=False),
    )
    return run(xf, zeros)

# --- scband reference (transcript-rebuilt; emitter-appended) ---
"""Pipeline reference for scband-one-hot-embed-87565793231068 (READ-ONLY COPY).

The authoritative reference and input builder live on the scoring server;
editing this copy changes nothing except your own understanding.
"""

import jax, jax.numpy as jnp
import numpy as np

VOCAB_SIZE = 1000

def setup_inputs(seed: int = 0) -> dict:
    key = jax.random.key(seed)
    x = jax.random.randint(key, (4096, 20), 0, VOCAB_SIZE, dtype=jnp.int64) if jax.config.jax_enable_x64 else jax.random.randint(key, (4096, 20), 0, VOCAB_SIZE, dtype=jnp.int32)
    return {"x": x}

def reference(x) -> jnp.ndarray:
    # F.one_hot(x, num_classes=vocab_size).float()
    return jax.nn.one_hot(x, VOCAB_SIZE, dtype=jnp.float32)

if __name__ == "__main__":
    import jax
    _d = setup_inputs()
    print(jax.jit(kernel)(*tuple(_d.values())))

</pallas_src>

<mosaic_0001>
#map = affine_map<(d0, d1) -> (0)>
#map1 = affine_map<(d0, d1) -> (0, 0, 0)>
module attributes {stable_mosaic.version = 14 : i64} {
  func.func @_onehot_sc(%arg0: i32, %arg1: i32, %arg2: memref<81920xi32, #tpu.memory_space<hbm>>, %arg3: memref<2x20x1000xf32, #tpu.memory_space<hbm>>, %arg4: memref<4096x20x1000xf32, #tpu.memory_space<hbm>>, %arg5: memref<2x20x1000xf32, #tpu.memory_space<vmem>>, %arg6: memref<2x20x1000xf32, #tpu.memory_space<vmem>>, %arg7: memref<2560xi32, #tpu.memory_space<vmem>>, %arg8: memref<!tpu.dma_semaphore, #tpu.memory_space<semaphore_mem>>, %arg9: memref<!tpu.dma_semaphore, #tpu.memory_space<semaphore_mem>>) attributes {dimension_semantics = [#tpu.dimension_semantics<core_parallel>, #tpu.dimension_semantics<subcore_parallel>], iteration_bounds = array<i64: 2, 16>, scalar_prefetch = 0 : i64, scratch_operands = 5 : i64, tpu.core_type = #tpu.core_type<sc_vector_subcore>, window_params = [{transform_indices = #map}, {transform_indices = #map1}, {transform_indices = #map1}]} {
    %mul3A = arith.constant 2 : i32
    %mul3A_0 = arith.muli %arg1, %mul3A : i32
    %add3A = arith.addi %mul3A_0, %arg0 : i32
    "tpu.region"() ({
      %run_scoped3A = tpu.sem_alloc : memref<!tpu.dma_semaphore, #tpu.memory_space<semaphore_mem>>
      tpu.enqueue_dma source(%arg3 : memref<2x20x1000xf32, #tpu.memory_space<hbm>>) target(%arg5 : memref<2x20x1000xf32, #tpu.memory_space<vmem>>) target_semaphore(%run_scoped3A : memref<!tpu.dma_semaphore, #tpu.memory_space<semaphore_mem>>)
      tpu.wait_dma2 semaphore(%run_scoped3A : memref<!tpu.dma_semaphore, #tpu.memory_space<semaphore_mem>>) src(%arg3 : memref<2x20x1000xf32, #tpu.memory_space<hbm>>) dst(%arg5 : memref<2x20x1000xf32, #tpu.memory_space<vmem>>)
      tpu.yield
    }) : () -> ()
    "tpu.region"() ({
      %run_scoped3A = tpu.sem_alloc : memref<!tpu.dma_semaphore, #tpu.memory_space<semaphore_mem>>
      tpu.enqueue_dma source(%arg3 : memref<2x20x1000xf32, #tpu.memory_space<hbm>>) target(%arg6 : memref<2x20x1000xf32, #tpu.memory_space<vmem>>) target_semaphore(%run_scoped3A : memref<!tpu.dma_semaphore, #tpu.memory_space<semaphore_mem>>)
      tpu.wait_dma2 semaphore(%run_scoped3A : memref<!tpu.dma_semaphore, #tpu.memory_space<semaphore_mem>>) src(%arg3 : memref<2x20x1000xf32, #tpu.memory_space<hbm>>) dst(%arg6 : memref<2x20x1000xf32, #tpu.memory_space<vmem>>)
      tpu.yield
    }) : () -> ()
    %mul3A_1 = arith.constant 2560 : i32
    %mul3A_2 = arith.muli %add3A, %mul3A_1 : i32
    "tpu.region"() ({
      %run_scoped3A = tpu.sem_alloc : memref<!tpu.dma_semaphore, #tpu.memory_space<semaphore_mem>>
      %dma_start3A = tpu.memref_slice %arg2[%mul3A_2] : memref<81920xi32, #tpu.memory_space<hbm>> -> memref<2560xi32, #tpu.memory_space<hbm>>
      %dma_start3A_25 = tpu.memref_slice %arg2[%mul3A_2] : memref<81920xi32, #tpu.memory_space<hbm>> -> memref<2560xi32, #tpu.memory_space<hbm>>
      tpu.enqueue_dma source(%dma_start3A_25 : memref<2560xi32, #tpu.memory_space<hbm>>) target(%arg7 : memref<2560xi32, #tpu.memory_space<vmem>>) target_semaphore(%run_scoped3A : memref<!tpu.dma_semaphore, #tpu.memory_space<semaphore_mem>>)
      %dma_wait3A_26 = tpu.memref_slice %arg2[%mul3A_2] : memref<81920xi32, #tpu.memory_space<hbm>> -> memref<2560xi32, #tpu.memory_space<hbm>>
      %dma_wait3A_27 = tpu.memref_slice %arg2[%mul3A_2] : memref<81920xi32, #tpu.memory_space<hbm>> -> memref<2560xi32, #tpu.memory_space<hbm>>
      tpu.wait_dma2 semaphore(%run_scoped3A : memref<!tpu.dma_semaphore, #tpu.memory_space<semaphore_mem>>) src(%dma_wait3A_27 : memref<2560xi32, #tpu.memory_space<hbm>>) dst(%arg7 : memref<2560xi32, #tpu.memory_space<vmem>>)
      tpu.yield
    }) : () -> ()
    %broadcast_in_dim3A = arith.constant 1.000000e+00 : f32
    %broadcast_in_dim3A_3 = vector.broadcast %broadcast_in_dim3A : f32 to vector<16xf32>
    %broadcast_in_dim3A_4 = arith.constant 0.000000e+00 : f32
    %broadcast_in_dim3A_5 = vector.broadcast %broadcast_in_dim3A_4 : f32 to vector<16xf32>
    %scan3A = arith.constant 0 : i32
    %scan3A_6 = arith.constant 32 : i32
    %scan3A_7 = arith.addi %scan3A, %scan3A_6 : i32
    %scan3A_8 = arith.constant 1 : i32
    scf.for %scan3A_25 = %scan3A to %scan3A_7 step %scan3A_8  : i32 {
      %mul3A_26 = arith.constant 2 : i32
      %mul3A_27 = arith.muli %mul3A_26, %scan3A_25 : i32
      %add3A_28 = arith.constant 0 : i32
      %add3A_29 = arith.addi %mul3A_27, %add3A_28 : i32
      %mul3A_30 = arith.constant 128 : i32
      %mul3A_31 = arith.muli %add3A, %mul3A_30 : i32
      %mul3A_32 = arith.constant 2 : i32
      %mul3A_33 = arith.muli %add3A_29, %mul3A_32 : i32
      %add3A_34 = arith.addi %mul3A_31, %mul3A_33 : i32
      %gt3A = arith.constant 0 : i32
      %gt3A_35 = arith.cmpi sgt, %scan3A_25, %gt3A : i32
      %convert_element_type3A = arith.extui %gt3A_35 : i1 to i32
      %cond3A = arith.constant 0 : i32
      %cond3A_36 = arith.cmpi ne, %convert_element_type3A, %cond3A : i32
      scf.if %cond3A_36 {
        %dma_wait3A_217 = arith.constant 0 : i32
        %dma_wait3A_218 = arith.constant 0 : i32
        %dma_wait3A_219 = tpu.memref_slice %arg4[%add3A_34, %dma_wait3A_217, %dma_wait3A_218] : memref<4096x20x1000xf32, #tpu.memory_space<hbm>> -> memref<2x20x1000xf32, #tpu.memory_space<hbm>>
        %dma_wait3A_220 = arith.constant 0 : i32
        %dma_wait3A_221 = arith.constant 0 : i32
        %dma_wait3A_222 = tpu.memref_slice %arg4[%add3A_34, %dma_wait3A_220, %dma_wait3A_221] : memref<4096x20x1000xf32, #tpu.memory_space<hbm>> -> memref<2x20x1000xf32, #tpu.memory_space<hbm>>
        tpu.wait_dma2 semaphore(%arg8 : memref<!tpu.dma_semaphore, #tpu.memory_space<semaphore_mem>>) src(%arg5 : memref<2x20x1000xf32, #tpu.memory_space<vmem>>) dst(%dma_wait3A_222 : memref<2x20x1000xf32, #tpu.memory_space<hbm>>)
        %sub3A_223 = arith.constant 2 : i32
        %sub3A_224 = arith.subi %add3A_29, %sub3A_223 : i32
        %iota3A_225 = tpu.iota {dimensions = array<i32: 0>} : vector<16xi32>
        %add3A_226 = arith.constant 0 : i32
        %add3A_227 = vector.broadcast %add3A_226 : i32 to vector<16xi32>
        %add3A_228 = arith.addi %add3A_227, %iota3A_225 : vector<16xi32>
        %lt3A_229 = arith.constant 40 : i32
        %lt3A_230 = vector.broadcast %lt3A_229 : i32 to vector<16xi32>
        %lt3A_231 = arith.cmpi slt, %add3A_228, %lt3A_230 : vector<16xi32>
        %jit3A_232 = arith.constant 0 : i32
        %broadcast_in_dim3A_233 = vector.broadcast %jit3A_232 : i32 to vector<16xi32>
        %select_n3A_234 = arith.select %lt3A_231, %add3A_228, %broadcast_in_dim3A_233 : vector<16xi1>, vector<16xi32>
        %broadcast_in_dim3A_235 = arith.constant 0 : i32
        %broadcast_in_dim3A_236 = vector.broadcast %broadcast_in_dim3A_235 : i32 to vector<16xi32>
        %ge3A_237 = arith.constant 20 : i32
        %ge3A_238 = vector.broadcast %ge3A_237 : i32 to vector<16xi32>
        %ge3A_239 = arith.cmpi sge, %select_n3A_234, %ge3A_238 : vector<16xi32>
        %convert_element_type3A_240 = arith.extui %ge3A_239 : vector<16xi1> to vector<16xi32>
        %add3A_241 = arith.addi %broadcast_in_dim3A_236, %convert_element_type3A_240 : vector<16xi32>
        %mul3A_242 = arith.constant 20 : i32
        %mul3A_243 = vector.broadcast %mul3A_242 : i32 to vector<16xi32>
        %mul3A_244 = arith.muli %add3A_241, %mul3A_243 : vector<16xi32>
        %sub3A_245 = arith.subi %select_n3A_234, %mul3A_244 : vector<16xi32>
        %mul3A_246 = arith.constant 40 : i32
        %mul3A_247 = arith.muli %sub3A_224, %mul3A_246 : i32
        %add3A_248 = arith.constant 0 : i32
        %add3A_249 = arith.addi %mul3A_247, %add3A_248 : i32
        %get3A_250 = arith.index_cast %add3A_249 : i32 to index
        %get3A_251 = tpu.vector_load %arg7[%get3A_250] {strides = array<i32>} : memref<2560xi32, #tpu.memory_space<vmem>>, vector<16xi32>,
        tpu.vector_store_idx %arg5[%add3A_241, %sub3A_245, %get3A_251], %broadcast_in_dim3A_5 masked %lt3A_231 : memref<2x20x1000xf32, #tpu.memory_space<vmem>>[vector<16xi32>, vector<16xi32>, vector<16xi32>], vector<16xf32>, vector<16xi1>
        %iota3A_252 = tpu.iota {dimensions = array<i32: 0>} : vector<16xi32>
        %add3A_253 = arith.constant 16 : i32
        %add3A_254 = vector.broadcast %add3A_253 : i32 to vector<16xi32>
        %add3A_255 = arith.addi %add3A_254, %iota3A_252 : vector<16xi32>
        %lt3A_256 = arith.constant 40 : i32
        %lt3A_257 = vector.broadcast %lt3A_256 : i32 to vector<16xi32>
        %lt3A_258 = arith.cmpi slt, %add3A_255, %lt3A_257 : vector<16xi32>
        %jit3A_259 = arith.constant 0 : i32
        %broadcast_in_dim3A_260 = vector.broadcast %jit3A_259 : i32 to vector<16xi32>
        %select_n3A_261 = arith.select %lt3A_258, %add3A_255, %broadcast_in_dim3A_260 : vector<16xi1>, vector<16xi32>
        %broadcast_in_dim3A_262 = arith.constant 0 : i32
        %broadcast_in_dim3A_263 = vector.broadcast %broadcast_in_dim3A_262 : i32 to vector<16xi32>
        %ge3A_264 = arith.constant 20 : i32
        %ge3A_265 = vector.broadcast %ge3A_264 : i32 to vector<16xi32>
        %ge3A_266 = arith.cmpi sge, %select_n3A_261, %ge3A_265 : vector<16xi32>
        %convert_element_type3A_267 = arith.extui %ge3A_266 : vector<16xi1> to vector<16xi32>
        %add3A_268 = arith.addi %broadcast_in_dim3A_263, %convert_element_type3A_267 : vector<16xi32>
        %mul3A_269 = arith.constant 20 : i32
        %mul3A_270 = vector.broadcast %mul3A_269 : i32 to vector<16xi32>
        %mul3A_271 = arith.muli %add3A_268, %mul3A_270 : vector<16xi32>
        %sub3A_272 = arith.subi %select_n3A_261, %mul3A_271 : vector<16xi32>
        %mul3A_273 = arith.constant 40 : i32
        %mul3A_274 = arith.muli %sub3A_224, %mul3A_273 : i32
        %add3A_275 = arith.constant 16 : i32
        %add3A_276 = arith.addi %mul3A_274, %add3A_275 : i32
        %get3A_277 = arith.index_cast %add3A_276 : i32 to index
        %get3A_278 = tpu.vector_load %arg7[%get3A_277] {strides = array<i32>} : memref<2560xi32, #tpu.memory_space<vmem>>, vector<16xi32>,
        tpu.vector_store_idx %arg5[%add3A_268, %sub3A_272, %get3A_278], %broadcast_in_dim3A_5 masked %lt3A_258 : memref<2x20x1000xf32, #tpu.memory_space<vmem>>[vector<16xi32>, vector<16xi32>, vector<16xi32>], vector<16xf32>, vector<16xi1>
        %iota3A_279 = tpu.iota {dimensions = array<i32: 0>} : vector<16xi32>
        %add3A_280 = arith.constant 32 : i32
        %add3A_281 = vector.broadcast %add3A_280 : i32 to vector<16xi32>
        %add3A_282 = arith.addi %add3A_281, %iota3A_279 : vector<16xi32>
        %lt3A_283 = arith.constant 40 : i32
        %lt3A_284 = vector.broadcast %lt3A_283 : i32 to vector<16xi32>
        %lt3A_285 = arith.cmpi slt, %add3A_282, %lt3A_284 : vector<16xi32>
        %jit3A_286 = arith.constant 0 : i32
        %broadcast_in_dim3A_287 = vector.broadcast %jit3A_286 : i32 to vector<16xi32>
        %select_n3A_288 = arith.select %lt3A_285, %add3A_282, %broadcast_in_dim3A_287 : vector<16xi1>, vector<16xi32>
        %broadcast_in_dim3A_289 = arith.constant 0 : i32
        %broadcast_in_dim3A_290 = vector.broadcast %broadcast_in_dim3A_289 : i32 to vector<16xi32>
        %ge3A_291 = arith.constant 20 : i32
        %ge3A_292 = vector.broadcast %ge3A_291 : i32 to vector<16xi32>
        %ge3A_293 = arith.cmpi sge, %select_n3A_288, %ge3A_292 : vector<16xi32>
        %convert_element_type3A_294 = arith.extui %ge3A_293 : vector<16xi1> to vector<16xi32>
        %add3A_295 = arith.addi %broadcast_in_dim3A_290, %convert_element_type3A_294 : vector<16xi32>
        %mul3A_296 = arith.constant 20 : i32
        %mul3A_297 = vector.broadcast %mul3A_296 : i32 to vector<16xi32>
        %mul3A_298 = arith.muli %add3A_295, %mul3A_297 : vector<16xi32>
        %sub3A_299 = arith.subi %select_n3A_288, %mul3A_298 : vector<16xi32>
        %mul3A_300 = arith.constant 40 : i32
        %mul3A_301 = arith.muli %sub3A_224, %mul3A_300 : i32
        %add3A_302 = arith.constant 32 : i32
        %add3A_303 = arith.addi %mul3A_301, %add3A_302 : i32
        %get3A_304 = arith.index_cast %add3A_303 : i32 to index
        %get3A_305 = tpu.vector_load %arg7[%get3A_304] {strides = array<i32>} : memref<2560xi32, #tpu.memory_space<vmem>>, vector<16xi32>,
        tpu.vector_store_idx %arg5[%add3A_295, %sub3A_299, %get3A_305], %broadcast_in_dim3A_5 masked %lt3A_285 : memref<2x20x1000xf32, #tpu.memory_space<vmem>>[vector<16xi32>, vector<16xi32>, vector<16xi32>], vector<16xf32>, vector<16xi1>
      } else {
      }
      %iota3A = tpu.iota {dimensions = array<i32: 0>} : vector<16xi32>
      %add3A_37 = arith.constant 0 : i32
      %add3A_38 = vector.broadcast %add3A_37 : i32 to vector<16xi32>
      %add3A_39 = arith.addi %add3A_38, %iota3A : vector<16xi32>
      %lt3A = arith.constant 40 : i32
      %lt3A_40 = vector.broadcast %lt3A : i32 to vector<16xi32>
      %lt3A_41 = arith.cmpi slt, %add3A_39, %lt3A_40 : vector<16xi32>
      %jit3A = arith.constant 0 : i32
      %broadcast_in_dim3A_42 = vector.broadcast %jit3A : i32 to vector<16xi32>
      %select_n3A = arith.select %lt3A_41, %add3A_39, %broadcast_in_dim3A_42 : vector<16xi1>, vector<16xi32>
      %broadcast_in_dim3A_43 = arith.constant 0 : i32
      %broadcast_in_dim3A_44 = vector.broadcast %broadcast_in_dim3A_43 : i32 to vector<16xi32>
      %ge3A = arith.constant 20 : i32
      %ge3A_45 = vector.broadcast %ge3A : i32 to vector<16xi32>
      %ge3A_46 = arith.cmpi sge, %select_n3A, %ge3A_45 : vector<16xi32>
      %convert_element_type3A_47 = arith.extui %ge3A_46 : vector<16xi1> to vector<16xi32>
      %add3A_48 = arith.addi %broadcast_in_dim3A_44, %convert_element_type3A_47 : vector<16xi32>
      %mul3A_49 = arith.constant 20 : i32
      %mul3A_50 = vector.broadcast %mul3A_49 : i32 to vector<16xi32>
      %mul3A_51 = arith.muli %add3A_48, %mul3A_50 : vector<16xi32>
      %sub3A = arith.subi %select_n3A, %mul3A_51 : vector<16xi32>
      %mul3A_52 = arith.constant 40 : i32
      %mul3A_53 = arith.muli %add3A_29, %mul3A_52 : i32
      %add3A_54 = arith.constant 0 : i32
      %add3A_55 = arith.addi %mul3A_53, %add3A_54 : i32
      %get3A = arith.index_cast %add3A_55 : i32 to index
      %get3A_56 = tpu.vector_load %arg7[%get3A] {strides = array<i32>} : memref<2560xi32, #tpu.memory_space<vmem>>, vector<16xi32>,
      tpu.vector_store_idx %arg5[%add3A_48, %sub3A, %get3A_56], %broadcast_in_dim3A_3 masked %lt3A_41 : memref<2x20x1000xf32, #tpu.memory_space<vmem>>[vector<16xi32>, vector<16xi32>, vector<16xi32>], vector<16xf32>, vector<16xi1>
      %iota3A_57 = tpu.iota {dimensions = array<i32: 0>} : vector<16xi32>
      %add3A_58 = arith.constant 16 : i32
      %add3A_59 = vector.broadcast %add3A_58 : i32 to vector<16xi32>
      %add3A_60 = arith.addi %add3A_59, %iota3A_57 : vector<16xi32>
      %lt3A_61 = arith.constant 40 : i32
      %lt3A_62 = vector.broadcast %lt3A_61 : i32 to vector<16xi32>
      %lt3A_63 = arith.cmpi slt, %add3A_60, %lt3A_62 : vector<16xi32>
      %jit3A_64 = arith.constant 0 : i32
      %broadcast_in_dim3A_65 = vector.broadcast %jit3A_64 : i32 to vector<16xi32>
      %select_n3A_66 = arith.select %lt3A_63, %add3A_60, %broadcast_in_dim3A_65 : vector<16xi1>, vector<16xi32>
      %broadcast_in_dim3A_67 = arith.constant 0 : i32
      %broadcast_in_dim3A_68 = vector.broadcast %broadcast_in_dim3A_67 : i32 to vector<16xi32>
      %ge3A_69 = arith.constant 20 : i32
      %ge3A_70 = vector.broadcast %ge3A_69 : i32 to vector<16xi32>
      %ge3A_71 = arith.cmpi sge, %select_n3A_66, %ge3A_70 : vector<16xi32>
      %convert_element_type3A_72 = arith.extui %ge3A_71 : vector<16xi1> to vector<16xi32>
      %add3A_73 = arith.addi %broadcast_in_dim3A_68, %convert_element_type3A_72 : vector<16xi32>
      %mul3A_74 = arith.constant 20 : i32
      %mul3A_75 = vector.broadcast %mul3A_74 : i32 to vector<16xi32>
      %mul3A_76 = arith.muli %add3A_73, %mul3A_75 : vector<16xi32>
      %sub3A_77 = arith.subi %select_n3A_66, %mul3A_76 : vector<16xi32>
      %mul3A_78 = arith.constant 40 : i32
      %mul3A_79 = arith.muli %add3A_29, %mul3A_78 : i32
      %add3A_80 = arith.constant 16 : i32
      %add3A_81 = arith.addi %mul3A_79, %add3A_80 : i32
      %get3A_82 = arith.index_cast %add3A_81 : i32 to index
      %get3A_83 = tpu.vector_load %arg7[%get3A_82] {strides = array<i32>} : memref<2560xi32, #tpu.memory_space<vmem>>, vector<16xi32>,
      tpu.vector_store_idx %arg5[%add3A_73, %sub3A_77, %get3A_83], %broadcast_in_dim3A_3 masked %lt3A_63 : memref<2x20x1000xf32, #tpu.memory_space<vmem>>[vector<16xi32>, vector<16xi32>, vector<16xi32>], vector<16xf32>, vector<16xi1>
      %iota3A_84 = tpu.iota {dimensions = array<i32: 0>} : vector<16xi32>
      %add3A_85 = arith.constant 32 : i32
      %add3A_86 = vector.broadcast %add3A_85 : i32 to vector<16xi32>
      %add3A_87 = arith.addi %add3A_86, %iota3A_84 : vector<16xi32>
      %lt3A_88 = arith.constant 40 : i32
      %lt3A_89 = vector.broadcast %lt3A_88 : i32 to vector<16xi32>
      %lt3A_90 = arith.cmpi slt, %add3A_87, %lt3A_89 : vector<16xi32>
      %jit3A_91 = arith.constant 0 : i32
      %broadcast_in_dim3A_92 = vector.broadcast %jit3A_91 : i32 to vector<16xi32>
      %select_n3A_93 = arith.select %lt3A_90, %add3A_87, %broadcast_in_dim3A_92 : vector<16xi1>, vector<16xi32>
      %broadcast_in_dim3A_94 = arith.constant 0 : i32
      %broadcast_in_dim3A_95 = vector.broadcast %broadcast_in_dim3A_94 : i32 to vector<16xi32>
      %ge3A_96 = arith.constant 20 : i32
      %ge3A_97 = vector.broadcast %ge3A_96 : i32 to vector<16xi32>
      %ge3A_98 = arith.cmpi sge, %select_n3A_93, %ge3A_97 : vector<16xi32>
      %convert_element_type3A_99 = arith.extui %ge3A_98 : vector<16xi1> to vector<16xi32>
      %add3A_100 = arith.addi %broadcast_in_dim3A_95, %convert_element_type3A_99 : vector<16xi32>
      %mul3A_101 = arith.constant 20 : i32
      %mul3A_102 = vector.broadcast %mul3A_101 : i32 to vector<16xi32>
      %mul3A_103 = arith.muli %add3A_100, %mul3A_102 : vector<16xi32>
      %sub3A_104 = arith.subi %select_n3A_93, %mul3A_103 : vector<16xi32>
      %mul3A_105 = arith.constant 40 : i32
      %mul3A_106 = arith.muli %add3A_29, %mul3A_105 : i32
      %add3A_107 = arith.constant 32 : i32
      %add3A_108 = arith.addi %mul3A_106, %add3A_107 : i32
      %get3A_109 = arith.index_cast %add3A_108 : i32 to index
      %get3A_110 = tpu.vector_load %arg7[%get3A_109] {strides = array<i32>} : memref<2560xi32, #tpu.memory_space<vmem>>, vector<16xi32>,
      tpu.vector_store_idx %arg5[%add3A_100, %sub3A_104, %get3A_110], %broadcast_in_dim3A_3 masked %lt3A_90 : memref<2x20x1000xf32, #tpu.memory_space<vmem>>[vector<16xi32>, vector<16xi32>, vector<16xi32>], vector<16xf32>, vector<16xi1>
      %dma_start3A = arith.constant 0 : i32
      %dma_start3A_111 = arith.constant 0 : i32
      %dma_start3A_112 = tpu.memref_slice %arg4[%add3A_34, %dma_start3A, %dma_start3A_111] : memref<4096x20x1000xf32, #tpu.memory_space<hbm>> -> memref<2x20x1000xf32, #tpu.memory_space<hbm>>
      %dma_start3A_113 = arith.constant 0 : i32
      %dma_start3A_114 = arith.constant 0 : i32
      %dma_start3A_115 = tpu.memref_slice %arg4[%add3A_34, %dma_start3A_113, %dma_start3A_114] : memref<4096x20x1000xf32, #tpu.memory_space<hbm>> -> memref<2x20x1000xf32, #tpu.memory_space<hbm>>
      tpu.enqueue_dma source(%arg5 : memref<2x20x1000xf32, #tpu.memory_space<vmem>>) target(%dma_start3A_115 : memref<2x20x1000xf32, #tpu.memory_space<hbm>>) target_semaphore(%arg8 : memref<!tpu.dma_semaphore, #tpu.memory_space<semaphore_mem>>)
      %mul3A_116 = arith.constant 2 : i32
      %mul3A_117 = arith.muli %mul3A_116, %scan3A_25 : i32
      %add3A_118 = arith.constant 1 : i32
      %add3A_119 = arith.addi %mul3A_117, %add3A_118 : i32
      %mul3A_120 = arith.constant 128 : i32
      %mul3A_121 = arith.muli %add3A, %mul3A_120 : i32
      %mul3A_122 = arith.constant 2 : i32
      %mul3A_123 = arith.muli %add3A_119, %mul3A_122 : i32
      %add3A_124 = arith.addi %mul3A_121, %mul3A_123 : i32
      %gt3A_125 = arith.constant 0 : i32
      %gt3A_126 = arith.cmpi sgt, %scan3A_25, %gt3A_125 : i32
      %convert_element_type3A_127 = arith.extui %gt3A_126 : i1 to i32
      %cond3A_128 = arith.constant 0 : i32
      %cond3A_129 = arith.cmpi ne, %convert_element_type3A_127, %cond3A_128 : i32
      scf.if %cond3A_129 {
        %dma_wait3A_217 = arith.constant 0 : i32
        %dma_wait3A_218 = arith.constant 0 : i32
        %dma_wait3A_219 = tpu.memref_slice %arg4[%add3A_124, %dma_wait3A_217, %dma_wait3A_218] : memref<4096x20x1000xf32, #tpu.memory_space<hbm>> -> memref<2x20x1000xf32, #tpu.memory_space<hbm>>
        %dma_wait3A_220 = arith.constant 0 : i32
        %dma_wait3A_221 = arith.constant 0 : i32
        %dma_wait3A_222 = tpu.memref_slice %arg4[%add3A_124, %dma_wait3A_220, %dma_wait3A_221] : memref<4096x20x1000xf32, #tpu.memory_space<hbm>> -> memref<2x20x1000xf32, #tpu.memory_space<hbm>>
        tpu.wait_dma2 semaphore(%arg9 : memref<!tpu.dma_semaphore, #tpu.memory_space<semaphore_mem>>) src(%arg6 : memref<2x20x1000xf32, #tpu.memory_space<vmem>>) dst(%dma_wait3A_222 : memref<2x20x1000xf32, #tpu.memory_space<hbm>>)
        %sub3A_223 = arith.constant 2 : i32
        %sub3A_224 = arith.subi %add3A_119, %sub3A_223 : i32
        %iota3A_225 = tpu.iota {dimensions = array<i32: 0>} : vector<16xi32>
        %add3A_226 = arith.constant 0 : i32
        %add3A_227 = vector.broadcast %add3A_226 : i32 to vector<16xi32>
        %add3A_228 = arith.addi %add3A_227, %iota3A_225 : vector<16xi32>
        %lt3A_229 = arith.constant 40 : i32
        %lt3A_230 = vector.broadcast %lt3A_229 : i32 to vector<16xi32>
        %lt3A_231 = arith.cmpi slt, %add3A_228, %lt3A_230 : vector<16xi32>
        %jit3A_232 = arith.constant 0 : i32
        %broadcast_in_dim3A_233 = vector.broadcast %jit3A_232 : i32 to vector<16xi32>
        %select_n3A_234 = arith.select %lt3A_231, %add3A_228, %broadcast_in_dim3A_233 : vector<16xi1>, vector<16xi32>
        %broadcast_in_dim3A_235 = arith.constant 0 : i32
        %broadcast_in_dim3A_236 = vector.broadcast %broadcast_in_dim3A_235 : i32 to vector<16xi32>
        %ge3A_237 = arith.constant 20 : i32
        %ge3A_238 = vector.broadcast %ge3A_237 : i32 to vector<16xi32>
        %ge3A_239 = arith.cmpi sge, %select_n3A_234, %ge3A_238 : vector<16xi32>
        %convert_element_type3A_240 = arith.extui %ge3A_239 : vector<16xi1> to vector<16xi32>
        %add3A_241 = arith.addi %broadcast_in_dim3A_236, %convert_element_type3A_240 : vector<16xi32>
        %mul3A_242 = arith.constant 20 : i32
        %mul3A_243 = vector.broadcast %mul3A_242 : i32 to vector<16xi32>
        %mul3A_244 = arith.muli %add3A_241, %mul3A_243 : vector<16xi32>
        %sub3A_245 = arith.subi %select_n3A_234, %mul3A_244 : vector<16xi32>
        %mul3A_246 = arith.constant 40 : i32
        %mul3A_247 = arith.muli %sub3A_224, %mul3A_246 : i32
        %add3A_248 = arith.constant 0 : i32
        %add3A_249 = arith.addi %mul3A_247, %add3A_248 : i32
        %get3A_250 = arith.index_cast %add3A_249 : i32 to index
        %get3A_251 = tpu.vector_load %arg7[%get3A_250] {strides = array<i32>} : memref<2560xi32, #tpu.memory_space<vmem>>, vector<16xi32>,
        tpu.vector_store_idx %arg6[%add3A_241, %sub3A_245, %get3A_251], %broadcast_in_dim3A_5 masked %lt3A_231 : memref<2x20x1000xf32, #tpu.memory_space<vmem>>[vector<16xi32>, vector<16xi32>, vector<16xi32>], vector<16xf32>, vector<16xi1>
        %iota3A_252 = tpu.iota {dimensions = array<i32: 0>} : vector<16xi32>
        %add3A_253 = arith.constant 16 : i32
        %add3A_254 = vector.broadcast %add3A_253 : i32 to vector<16xi32>
        %add3A_255 = arith.addi %add3A_254, %iota3A_252 : vector<16xi32>
        %lt3A_256 = arith.constant 40 : i32
        %lt3A_257 = vector.broadcast %lt3A_256 : i32 to vector<16xi32>
        %lt3A_258 = arith.cmpi slt, %add3A_255, %lt3A_257 : vector<16xi32>
        %jit3A_259 = arith.constant 0 : i32
        %broadcast_in_dim3A_260 = vector.broadcast %jit3A_259 : i32 to vector<16xi32>
        %select_n3A_261 = arith.select %lt3A_258, %add3A_255, %broadcast_in_dim3A_260 : vector<16xi1>, vector<16xi32>
        %broadcast_in_dim3A_262 = arith.constant 0 : i32
        %broadcast_in_dim3A_263 = vector.broadcast %broadcast_in_dim3A_262 : i32 to vector<16xi32>
        %ge3A_264 = arith.constant 20 : i32
        %ge3A_265 = vector.broadcast %ge3A_264 : i32 to vector<16xi32>
        %ge3A_266 = arith.cmpi sge, %select_n3A_261, %ge3A_265 : vector<16xi32>
        %convert_element_type3A_267 = arith.extui %ge3A_266 : vector<16xi1> to vector<16xi32>
        %add3A_268 = arith.addi %broadcast_in_dim3A_263, %convert_element_type3A_267 : vector<16xi32>
        %mul3A_269 = arith.constant 20 : i32
        %mul3A_270 = vector.broadcast %mul3A_269 : i32 to vector<16xi32>
        %mul3A_271 = arith.muli %add3A_268, %mul3A_270 : vector<16xi32>
        %sub3A_272 = arith.subi %select_n3A_261, %mul3A_271 : vector<16xi32>
        %mul3A_273 = arith.constant 40 : i32
        %mul3A_274 = arith.muli %sub3A_224, %mul3A_273 : i32
        %add3A_275 = arith.constant 16 : i32
        %add3A_276 = arith.addi %mul3A_274, %add3A_275 : i32
        %get3A_277 = arith.index_cast %add3A_276 : i32 to index
        %get3A_278 = tpu.vector_load %arg7[%get3A_277] {strides = array<i32>} : memref<2560xi32, #tpu.memory_space<vmem>>, vector<16xi32>,
        tpu.vector_store_idx %arg6[%add3A_268, %sub3A_272, %get3A_278], %broadcast_in_dim3A_5 masked %lt3A_258 : memref<2x20x1000xf32, #tpu.memory_space<vmem>>[vector<16xi32>, vector<16xi32>, vector<16xi32>], vector<16xf32>, vector<16xi1>
        %iota3A_279 = tpu.iota {dimensions = array<i32: 0>} : vector<16xi32>
        %add3A_280 = arith.constant 32 : i32
        %add3A_281 = vector.broadcast %add3A_280 : i32 to vector<16xi32>
        %add3A_282 = arith.addi %add3A_281, %iota3A_279 : vector<16xi32>
        %lt3A_283 = arith.constant 40 : i32
        %lt3A_284 = vector.broadcast %lt3A_283 : i32 to vector<16xi32>
        %lt3A_285 = arith.cmpi slt, %add3A_282, %lt3A_284 : vector<16xi32>
        %jit3A_286 = arith.constant 0 : i32
        %broadcast_in_dim3A_287 = vector.broadcast %jit3A_286 : i32 to vector<16xi32>
        %select_n3A_288 = arith.select %lt3A_285, %add3A_282, %broadcast_in_dim3A_287 : vector<16xi1>, vector<16xi32>
        %broadcast_in_dim3A_289 = arith.constant 0 : i32
        %broadcast_in_dim3A_290 = vector.broadcast %broadcast_in_dim3A_289 : i32 to vector<16xi32>
        %ge3A_291 = arith.constant 20 : i32
        %ge3A_292 = vector.broadcast %ge3A_291 : i32 to vector<16xi32>
        %ge3A_293 = arith.cmpi sge, %select_n3A_288, %ge3A_292 : vector<16xi32>
        %convert_element_type3A_294 = arith.extui %ge3A_293 : vector<16xi1> to vector<16xi32>
        %add3A_295 = arith.addi %broadcast_in_dim3A_290, %convert_element_type3A_294 : vector<16xi32>
        %mul3A_296 = arith.constant 20 : i32
        %mul3A_297 = vector.broadcast %mul3A_296 : i32 to vector<16xi32>
        %mul3A_298 = arith.muli %add3A_295, %mul3A_297 : vector<16xi32>
        %sub3A_299 = arith.subi %select_n3A_288, %mul3A_298 : vector<16xi32>
        %mul3A_300 = arith.constant 40 : i32
        %mul3A_301 = arith.muli %sub3A_224, %mul3A_300 : i32
        %add3A_302 = arith.constant 32 : i32
        %add3A_303 = arith.addi %mul3A_301, %add3A_302 : i32
        %get3A_304 = arith.index_cast %add3A_303 : i32 to index
        %get3A_305 = tpu.vector_load %arg7[%get3A_304] {strides = array<i32>} : memref<2560xi32, #tpu.memory_space<vmem>>, vector<16xi32>,
        tpu.vector_store_idx %arg6[%add3A_295, %sub3A_299, %get3A_305], %broadcast_in_dim3A_5 masked %lt3A_285 : memref<2x20x1000xf32, #tpu.memory_space<vmem>>[vector<16xi32>, vector<16xi32>, vector<16xi32>], vector<16xf32>, vector<16xi1>
      } else {
      }
      %iota3A_130 = tpu.iota {dimensions = array<i32: 0>} : vector<16xi32>
      %add3A_131 = arith.constant 0 : i32
      %add3A_132 = vector.broadcast %add3A_131 : i32 to vector<16xi32>
      %add3A_133 = arith.addi %add3A_132, %iota3A_130 : vector<16xi32>
      %lt3A_134 = arith.constant 40 : i32
      %lt3A_135 = vector.broadcast %lt3A_134 : i32 to vector<16xi32>
      %lt3A_136 = arith.cmpi slt, %add3A_133, %lt3A_135 : vector<16xi32>
      %jit3A_137 = arith.constant 0 : i32
      %broadcast_in_dim3A_138 = vector.broadcast %jit3A_137 : i32 to vector<16xi32>
      %select_n3A_139 = arith.select %lt3A_136, %add3A_133, %broadcast_in_dim3A_138 : vector<16xi1>, vector<16xi32>
      %broadcast_in_dim3A_140 = arith.constant 0 : i32
      %broadcast_in_dim3A_141 = vector.broadcast %broadcast_in_dim3A_140 : i32 to vector<16xi32>
      %ge3A_142 = arith.constant 20 : i32
      %ge3A_143 = vector.broadcast %ge3A_142 : i32 to vector<16xi32>
      %ge3A_144 = arith.cmpi sge, %select_n3A_139, %ge3A_143 : vector<16xi32>
      %convert_element_type3A_145 = arith.extui %ge3A_144 : vector<16xi1> to vector<16xi32>
      %add3A_146 = arith.addi %broadcast_in_dim3A_141, %convert_element_type3A_145 : vector<16xi32>
      %mul3A_147 = arith.constant 20 : i32
      %mul3A_148 = vector.broadcast %mul3A_147 : i32 to vector<16xi32>
      %mul3A_149 = arith.muli %add3A_146, %mul3A_148 : vector<16xi32>
      %sub3A_150 = arith.subi %select_n3A_139, %mul3A_149 : vector<16xi32>
      %mul3A_151 = arith.constant 40 : i32
      %mul3A_152 = arith.muli %add3A_119, %mul3A_151 : i32
      %add3A_153 = arith.constant 0 : i32
      %add3A_154 = arith.addi %mul3A_152, %add3A_153 : i32
      %get3A_155 = arith.index_cast %add3A_154 : i32 to index
      %get3A_156 = tpu.vector_load %arg7[%get3A_155] {strides = array<i32>} : memref<2560xi32, #tpu.memory_space<vmem>>, vector<16xi32>,
      tpu.vector_store_idx %arg6[%add3A_146, %sub3A_150, %get3A_156], %broadcast_in_dim3A_3 masked %lt3A_136 : memref<2x20x1000xf32, #tpu.memory_space<vmem>>[vector<16xi32>, vector<16xi32>, vector<16xi32>], vector<16xf32>, vector<16xi1>
      %iota3A_157 = tpu.iota {dimensions = array<i32: 0>} : vector<16xi32>
      %add3A_158 = arith.constant 16 : i32
      %add3A_159 = vector.broadcast %add3A_158 : i32 to vector<16xi32>
      %add3A_160 = arith.addi %add3A_159, %iota3A_157 : vector<16xi32>
      %lt3A_161 = arith.constant 40 : i32
      %lt3A_162 = vector.broadcast %lt3A_161 : i32 to vector<16xi32>
      %lt3A_163 = arith.cmpi slt, %add3A_160, %lt3A_162 : vector<16xi32>
      %jit3A_164 = arith.constant 0 : i32
      %broadcast_in_dim3A_165 = vector.broadcast %jit3A_164 : i32 to vector<16xi32>
      %select_n3A_166 = arith.select %lt3A_163, %add3A_160, %broadcast_in_dim3A_165 : vector<16xi1>, vector<16xi32>
      %broadcast_in_dim3A_167 = arith.constant 0 : i32
      %broadcast_in_dim3A_168 = vector.broadcast %broadcast_in_dim3A_167 : i32 to vector<16xi32>
      %ge3A_169 = arith.constant 20 : i32
      %ge3A_170 = vector.broadcast %ge3A_169 : i32 to vector<16xi32>
      %ge3A_171 = arith.cmpi sge, %select_n3A_166, %ge3A_170 : vector<16xi32>
      %convert_element_type3A_172 = arith.extui %ge3A_171 : vector<16xi1> to vector<16xi32>
      %add3A_173 = arith.addi %broadcast_in_dim3A_168, %convert_element_type3A_172 : vector<16xi32>
      %mul3A_174 = arith.constant 20 : i32
      %mul3A_175 = vector.broadcast %mul3A_174 : i32 to vector<16xi32>
      %mul3A_176 = arith.muli %add3A_173, %mul3A_175 : vector<16xi32>
      %sub3A_177 = arith.subi %select_n3A_166, %mul3A_176 : vector<16xi32>
      %mul3A_178 = arith.constant 40 : i32
      %mul3A_179 = arith.muli %add3A_119, %mul3A_178 : i32
      %add3A_180 = arith.constant 16 : i32
      %add3A_181 = arith.addi %mul3A_179, %add3A_180 : i32
      %get3A_182 = arith.index_cast %add3A_181 : i32 to index
      %get3A_183 = tpu.vector_load %arg7[%get3A_182] {strides = array<i32>} : memref<2560xi32, #tpu.memory_space<vmem>>, vector<16xi32>,
      tpu.vector_store_idx %arg6[%add3A_173, %sub3A_177, %get3A_183], %broadcast_in_dim3A_3 masked %lt3A_163 : memref<2x20x1000xf32, #tpu.memory_space<vmem>>[vector<16xi32>, vector<16xi32>, vector<16xi32>], vector<16xf32>, vector<16xi1>
      %iota3A_184 = tpu.iota {dimensions = array<i32: 0>} : vector<16xi32>
      %add3A_185 = arith.constant 32 : i32
      %add3A_186 = vector.broadcast %add3A_185 : i32 to vector<16xi32>
      %add3A_187 = arith.addi %add3A_186, %iota3A_184 : vector<16xi32>
      %lt3A_188 = arith.constant 40 : i32
      %lt3A_189 = vector.broadcast %lt3A_188 : i32 to vector<16xi32>
      %lt3A_190 = arith.cmpi slt, %add3A_187, %lt3A_189 : vector<16xi32>
      %jit3A_191 = arith.constant 0 : i32
      %broadcast_in_dim3A_192 = vector.broadcast %jit3A_191 : i32 to vector<16xi32>
      %select_n3A_193 = arith.select %lt3A_190, %add3A_187, %broadcast_in_dim3A_192 : vector<16xi1>, vector<16xi32>
      %broadcast_in_dim3A_194 = arith.constant 0 : i32
      %broadcast_in_dim3A_195 = vector.broadcast %broadcast_in_dim3A_194 : i32 to vector<16xi32>
      %ge3A_196 = arith.constant 20 : i32
      %ge3A_197 = vector.broadcast %ge3A_196 : i32 to vector<16xi32>
      %ge3A_198 = arith.cmpi sge, %select_n3A_193, %ge3A_197 : vector<16xi32>
      %convert_element_type3A_199 = arith.extui %ge3A_198 : vector<16xi1> to vector<16xi32>
      %add3A_200 = arith.addi %broadcast_in_dim3A_195, %convert_element_type3A_199 : vector<16xi32>
      %mul3A_201 = arith.constant 20 : i32
      %mul3A_202 = vector.broadcast %mul3A_201 : i32 to vector<16xi32>
      %mul3A_203 = arith.muli %add3A_200, %mul3A_202 : vector<16xi32>
      %sub3A_204 = arith.subi %select_n3A_193, %mul3A_203 : vector<16xi32>
      %mul3A_205 = arith.constant 40 : i32
      %mul3A_206 = arith.muli %add3A_119, %mul3A_205 : i32
      %add3A_207 = arith.constant 32 : i32
      %add3A_208 = arith.addi %mul3A_206, %add3A_207 : i32
      %get3A_209 = arith.index_cast %add3A_208 : i32 to index
      %get3A_210 = tpu.vector_load %arg7[%get3A_209] {strides = array<i32>} : memref<2560xi32, #tpu.memory_space<vmem>>, vector<16xi32>,
      tpu.vector_store_idx %arg6[%add3A_200, %sub3A_204, %get3A_210], %broadcast_in_dim3A_3 masked %lt3A_190 : memref<2x20x1000xf32, #tpu.memory_space<vmem>>[vector<16xi32>, vector<16xi32>, vector<16xi32>], vector<16xf32>, vector<16xi1>
      %dma_start3A_211 = arith.constant 0 : i32
      %dma_start3A_212 = arith.constant 0 : i32
      %dma_start3A_213 = tpu.memref_slice %arg4[%add3A_124, %dma_start3A_211, %dma_start3A_212] : memref<4096x20x1000xf32, #tpu.memory_space<hbm>> -> memref<2x20x1000xf32, #tpu.memory_space<hbm>>
      %dma_start3A_214 = arith.constant 0 : i32
      %dma_start3A_215 = arith.constant 0 : i32
      %dma_start3A_216 = tpu.memref_slice %arg4[%add3A_124, %dma_start3A_214, %dma_start3A_215] : memref<4096x20x1000xf32, #tpu.memory_space<hbm>> -> memref<2x20x1000xf32, #tpu.memory_space<hbm>>
      tpu.enqueue_dma source(%arg6 : memref<2x20x1000xf32, #tpu.memory_space<vmem>>) target(%dma_start3A_216 : memref<2x20x1000xf32, #tpu.memory_space<hbm>>) target_semaphore(%arg9 : memref<!tpu.dma_semaphore, #tpu.memory_space<semaphore_mem>>)
    }
    %scan3A_9 = arith.constant 32 : i32
    %dma_wait3A = arith.constant 0 : i32
    %dma_wait3A_10 = arith.constant 0 : i32
    %dma_wait3A_11 = arith.constant 0 : i32
    %dma_wait3A_12 = tpu.memref_slice %arg4[%dma_wait3A, %dma_wait3A_10, %dma_wait3A_11] : memref<4096x20x1000xf32, #tpu.memory_space<hbm>> -> memref<2x20x1000xf32, #tpu.memory_space<hbm>>
    %dma_wait3A_13 = arith.constant 0 : i32
    %dma_wait3A_14 = arith.constant 0 : i32
    %dma_wait3A_15 = arith.constant 0 : i32
    %dma_wait3A_16 = tpu.memref_slice %arg4[%dma_wait3A_13, %dma_wait3A_14, %dma_wait3A_15] : memref<4096x20x1000xf32, #tpu.memory_space<hbm>> -> memref<2x20x1000xf32, #tpu.memory_space<hbm>>
    tpu.wait_dma2 semaphore(%arg8 : memref<!tpu.dma_semaphore, #tpu.memory_space<semaphore_mem>>) src(%arg5 : memref<2x20x1000xf32, #tpu.memory_space<vmem>>) dst(%dma_wait3A_16 : memref<2x20x1000xf32, #tpu.memory_space<hbm>>)
    %dma_wait3A_17 = arith.constant 0 : i32
    %dma_wait3A_18 = arith.constant 0 : i32
    %dma_wait3A_19 = arith.constant 0 : i32
    %dma_wait3A_20 = tpu.memref_slice %arg4[%dma_wait3A_17, %dma_wait3A_18, %dma_wait3A_19] : memref<4096x20x1000xf32, #tpu.memory_space<hbm>> -> memref<2x20x1000xf32, #tpu.memory_space<hbm>>
    %dma_wait3A_21 = arith.constant 0 : i32
    %dma_wait3A_22 = arith.constant 0 : i32
    %dma_wait3A_23 = arith.constant 0 : i32
    %dma_wait3A_24 = tpu.memref_slice %arg4[%dma_wait3A_21, %dma_wait3A_22, %dma_wait3A_23] : memref<4096x20x1000xf32, #tpu.memory_space<hbm>> -> memref<2x20x1000xf32, #tpu.memory_space<hbm>>
    tpu.wait_dma2 semaphore(%arg9 : memref<!tpu.dma_semaphore, #tpu.memory_space<semaphore_mem>>) src(%arg6 : memref<2x20x1000xf32, #tpu.memory_space<vmem>>) dst(%dma_wait3A_24 : memref<2x20x1000xf32, #tpu.memory_space<hbm>>)
    return
  }
}

</mosaic_0001>

<sc_bundles>
// kernel: kernel.3.cloned.1.call-start
scs
__scs_entry_jumppad:
0x0: {  	(pc) =	sbr.rel $0x88, $3  }
0x1: {  	(tag) =	ssettag $0x0;
	lr =	simm.s32 $0x1  }
0x2: {  	[smem:$0x3FA0] =	sst lr;
	_ =	strace $0xD0000000  }
0x3: {  	_ = 	snop  }
0x4: {  	_ = 	snop  }
0x5: {  	_ = 	snop  }
0x6: {  	_ = 	snop  }
0x7: {  	_ = 	snop  }
__scs_overlays_trampoline_lowered:
0x8: {  	[smem:$0x3FAF] =	sst s0  }
0x9: {  	[smem:$0x3FB0] =	sst s1  }
0xa: {  	[smem:$0x3FB1] =	sst s2  }
0xb: {  	[smem:$0x3FB2] =	sst s3  }
0xc: {  	[smem:$0x3FB3] =	sst s4  }
0xd: {  	[smem:$0x3FB4] =	sst s5  }
0xe: {  	[smem:$0x3FB5] =	sst s6  }
0xf: {  	[smem:$0x3FB6] =	sst s7  }
0x10: {  	[smem:$0x3FB7] =	sst s8  }
0x11: {  	[smem:$0x3FB8] =	sst s9;
	s0 =	simm.s32 @!p0 $0x0  }
0x12: {  	s1 =	sld [smem:$0x3F9E];
	s0 =	simm.s32 @p0 $0x1  }
0x13: {  	[smem:$0x3FB9] =	sst s0;
	s0 =	simm.s32 @!p1 $0x0  }
0x14: {  	s2 =	sld [smem:$0x3F9D];
	s0 =	simm.s32 @p1 $0x1  }
0x15: {  	[smem:$0x3FBA] =	sst s0;
	s0 =	simm.s32 @!p2 $0x0  }
0x16: {  	s3 =	sld [smem:$0x3FDB];
	s0 =	simm.s32 @p2 $0x1  }
0x17: {  	s4 =	simm.s32 $0x1BF5;
	[smem:$0x3FBC] =	sst s0  }
0x18: {  	s0 =	sld [smem:$0x3F9F];
	_ =	swait.ge [sflag:s4], $0x0  }
0x19: {  	s7 =	sld [smem:$0x3FA0]  }
0x1a: {  	s8 =	sadd.s32 $0xFFFFE003, lr  }
0x1b: {  	s9 =	sadd.s32 $0xFFFFFEF7, lr;
	s5 =	simm.s32 $0xFFFFFFFF;
	p2 =	slt.u32 s8, $0xFFFFF086  }
0x1c: {  	p1 =	slt.u32 s9, $0xF7A;
	s5 =	simm.s32 @!p2 $0x0  }
0x1d: {  	s5 =	simm.s32 @p1 $0x1;
	p0 =	seq.s32 s7, s2  }
0x1e: {  	s7 =	smul.u32 @!p0 $0xF7A, s2;
	p2 =	seq.s32 @!p0 s5, $0x0  }
0x1f: {  	s9 =	smul.u32 $0xF7A, s1;
	s8 =	simm.s32 @!p0 $0x1BF5;
	p2 =	por !p2, p0  }
0x20: {  	[sflag:s8] =	ssyncset.s32 @!p0 $0xFFFFF086;
	s6 =	sadd.s32 @!p0 s3, s7;
	s7 =	simm.s32 @!p0 $0x108  }
0x21: {  	s3 =	sadd.s32 s3, s9;
	s6 =	sadd.s32 @!p0 $0x88, s6;
	s7 =	simm.s32 @p2 $0x1082  }
0x22: {  	[simem:s7], [sflag:s8] =	dma.local @!p0 [hbm:s6], $0xF7A  }
0x23: {  	s9 =	sor.u32 $0xD0000000, s2;
	s6 =	simm.s32 $0x108;
	_ =	swait.ge @!p0 [sflag:s8], $0x0  }
0x24: {  	s3 =	sadd.s32 $0x88, s3;
	s6 =	simm.s32 @!p1 $0x1082;
	[sflag:s4] =	ssyncset.s32 $0xFFFFF086  }
0x25: {  	[simem:s6], [sflag:s4] =	dma.local [hbm:s3], $0xF7A  }
0x26: {  	[smem:$0x3FA0] =	sst s1;
	(tag) =	ssettag s2;
	_ =	strace s9  }
0x27: {  	s1 =	sld [smem:$0x3FB0]  }
0x28: {  	s2 =	sld [smem:$0x3FB1]  }
0x29: {  	s4 =	sld [smem:$0x3FB3]  }
0x2a: {  	p0 =	seq.s32 s5, $0x0;
	s5 =	sld [smem:$0x3FB4]  }
0x2b: {  	s6 =	sld [smem:$0x3FB5]  }
0x2c: {  	s7 =	sld [smem:$0x3FB6]  }
0x2d: {  	s3 =	simm.s32 $0x108;
	s8 =	sld [smem:$0x3FB7]  }
0x2e: {  	s3 =	simm.s32 @!p0 $0x1082;
	s9 =	sld [smem:$0x3FB8]  }
0x2f: {  	lr =	sadd.s32 s0, s3;
	s0 =	sld [smem:$0x3FAF]  }
0x30: {  	s3 =	sld [smem:$0x3FB2]  }
0x31: {  	[smem:$0x3FBB] =	sst s10  }
0x32: {  	s10 =	sld [smem:$0x3FB9];
	_ =	sdelay $0x3  }
0x33: {  	p0 =	seq.s32 s10, $0x1;
	s10 =	sld [smem:$0x3FBB];
	_ =	sdelay $0x3  }
0x34: {  	[smem:$0x3FBB] =	sst s10  }
0x35: {  	s10 =	sld [smem:$0x3FBA];
	_ =	sdelay $0x3  }
0x36: {  	p1 =	seq.s32 s10, $0x1;
	s10 =	sld [smem:$0x3FBB];
	_ =	sdelay $0x3  }
0x37: {  	[smem:$0x3FBB] =	sst s10  }
0x38: {  	s10 =	sld [smem:$0x3FBC]  }
0x39: {  	_ = 	snop;
	(pc) =	sbr.ind lr, $3  }
0x3a: {  	_ = 	snop  }
0x3b: {  	_ = 	snop  }
0x3c: {  	p2 =	seq.s32 s10, $0x1;
	s10 =	sld [smem:$0x3FBB]  }
0x3d: {  	_ =	shalt  }
0x3e: {  	_ =	shalt  }
0x3f: {  	_ =	shalt  }
0x40: {  	_ =	shalt  }
0x41: {  	_ =	shalt  }
0x42: {  	_ =	shalt  }
0x43: {  	_ =	shalt  }
0x44: {  	_ =	shalt  }
0x45: {  	_ =	shalt  }
0x46: {  	_ =	shalt  }
0x47: {  	_ =	shalt  }
0x48: {  	_ =	shalt  }
0x49: {  	_ =	shalt  }
0x4a: {  	_ =	shalt  }
0x4b: {  	_ =	shalt  }
0x4c: {  	_ =	shalt  }
0x4d: {  	_ =	shalt  }
0x4e: {  	_ =	shalt  }
0x4f: {  	_ =	shalt  }
0x50: {  	_ =	shalt  }
0x51: {  	_ =	shalt  }
0x52: {  	_ =	shalt  }
0x53: {  	_ =	shalt  }
0x54: {  	_ =	shalt  }
0x55: {  	_ =	shalt  }
0x56: {  	_ =	shalt  }
0x57: {  	_ =	shalt  }
0x58: {  	_ =	shalt  }
0x59: {  	_ =	shalt  }
0x5a: {  	_ =	shalt  }
0x5b: {  	_ =	shalt  }
0x5c: {  	_ =	shalt  }
0x5d: {  	_ =	shalt  }
0x5e: {  	_ =	shalt  }
0x5f: {  	_ =	shalt  }
0x60: {  	_ =	shalt  }
0x61: {  	_ =	shalt  }
0x62: {  	_ =	shalt  }
0x63: {  	_ =	shalt  }
0x64: {  	_ =	shalt  }
0x65: {  	_ =	shalt  }
0x66: {  	_ =	shalt  }
0x67: {  	_ =	shalt  }
0x68: {  	_ =	shalt  }
0x69: {  	_ =	shalt  }
0x6a: {  	_ =	shalt  }
0x6b: {  	_ =	shalt  }
0x6c: {  	_ =	shalt  }
0x6d: {  	_ =	shalt  }
0x6e: {  	_ =	shalt  }
0x6f: {  	_ =	shalt  }
0x70: {  	_ =	shalt  }
0x71: {  	_ =	shalt  }
0x72: {  	_ =	shalt  }
0x73: {  	_ =	shalt  }
0x74: {  	_ =	shalt  }
0x75: {  	_ =	shalt  }
0x76: {  	_ =	shalt  }
0x77: {  	_ =	shalt  }
0x78: {  	_ =	shalt  }
0x79: {  	_ =	shalt  }
0x7a: {  	_ =	shalt  }
0x7b: {  	_ =	shalt  }
0x7c: {  	_ =	shalt  }
0x7d: {  	_ =	shalt  }
0x7e: {  	_ =	shalt  }
0x7f: {  	_ =	shalt  }
0x80: {  	_ =	shalt  }
0x81: {  	_ =	shalt  }
0x82: {  	_ =	shalt  }
0x83: {  	_ =	shalt  }
0x84: {  	_ =	shalt  }
0x85: {  	_ =	shalt  }
0x86: {  	_ =	shalt  }
0x87: {  	_ =	shalt  }
.Lfunc_end0:
.L_simem_size_0:
called_computation_lowered:
.L_overlay_start_0:
0x88: {  	s2 =	sld [smem:$0x3FD9]  }
0x89: {  	s3 =	sld [smem:$0x3FFE];
	_ =	sdelay $0x1  }
0x8a: {  	s1 =	srdreg.scid  }
0x8b: {  	s0 =	sand.u32 $0x1, s1  }
0x8c: {  	s17 =	sshll.u32 s0, $0xA;
	s2 =	sadd.s32 s3, s2  }
0x8d: {  	s2 =	sadd.s32 s2, s17  }
0x8e: {  	[smem:$0x3FC7] =	sst s2  }
0x8f: {  	_ = 	snop  }
0x90: {  	s2 =	sld [smem:$0x3FD0];
	(tm) =	ssettm $0x1  }
0x91: {  	s18 =	sld [smem:$0x3FFB];
	_ =	sdelay $0x3  }
0x92: {  	_ =	strace s18  }
0x93: {  	s3 =	sld [smem:$0x3FFC];
	_ =	sdelay $0x3  }
0x94: {  	_ =	strace s3  }
0x95: {  	s3 =	sld [smem:$0x3FFD];
	_ =	sdelay $0x3  }
0x96: {  	_ =	strace s3  }
0x97: {  	_ =	strace $0x8FFFFFFF  }
0x98: {  	s19 =	sld [smem:$0x3FDB];
	_ =	sdelay $0x1  }
0x99: {  	s4 =	simm.s32 $_scs_section_size  }
0x9a: {  	s5 =	simm.s32 $_size__tile_overlayer_lowered;
	s6 =	simm.s32 $_tile_overlayer_lowered  }
0x9b: {  	s22 =	simm.s32 $0x1BFF;
	s21 =	sshll.u32 s6, $0x1;
	s3 =	sadd.s32 s4, s19  }
0x9c: {  	s7 =	simm.s32 $0x0;
	s20 =	sshll.u32 s5, $0x1;
	s5 =	sadd.s32 s21, s3  }
0x9d: {  	[timem:s7], [sflag:s22] =	dma.local [hbm:s5], s20  }
0x9e: {  	_ =	swait.ge [sflag:s22], s20  }
0x9f: {  	s4 =	ssub.s32 $0x0, s20;
	[sflag:s22] =	ssyncset.done $0x0  }
0xa0: {  	[sflag:s22] =	ssyncadd.s32 s4;
	_ =	sdelay $0x1  }
0xa1: {  	s23 =	simm.s32 $0x1B8B  }
0xa2: {  	_ =	swait.ge [sflag:s23], $0x1  }
0xa3: {  	[sflag:s23] =	ssyncset.done $0x0  }
0xa4: {  	s25 =	simm.s32 $0x1B8E;
	s24 =	sld [smem:$0x3FFE];
	[sflag:s23] =	ssyncadd.s32 $0xFFFFFFFF  }
0xa5: {  	s26 =	simm.s32 $execute0_lowered;
	[smem:$0x3FD2] =	sst s25  }
0xa6: {  	s5 =	sshll.u32 s26, $0x1;
	_ =	strace $0x80000046;
	[dreg:$0x1] =	wrdreg $0xFFFFFFFF  }
0xa7: {  	s28 =	simm.s32 $_size_execute0_lowered;
	s3 =	sadd.s32 s3, s5;
	[dreg:$0x0] =	wrdreg $0x0  }
0xa8: {  	s5 =	sshll.u32 s28, $0x1;
	[dreg:$0x2] =	wrdreg s3  }
0xa9: {  	[dreg:$0x3] =	wrdreg s5  }
0xaa: {  	[dreg:$0x4] =	wrdreg $0xC0  }
0xab: {  	_ =	task [dreg:s7], $0x5FFFF  }
0xac: {  	[dreg:$0x1] =	wrdreg $0xFFFFFFFF  }
0xad: {  	[dreg:$0x0] =	wrdreg $0x60  }
0xae: {  	[dreg:$0x2] =	wrdreg s2  }
0xaf: {  	[dreg:$0x3] =	wrdreg s24  }
0xb0: {  	[dreg:$0x4] =	wrdreg $0x9  }
0xb1: {  	_ =	task.clear_ibuf [dreg:s7], $0x5FFFF;
	_ =	strace $0x90000046  }
0xb2: {  	s29 =	simm.s32 $0x9;
	_ =	strace $0x80000048  }
0xb3: {  	_ =	swait.ge [sflag:s29], $0x1  }
0xb4: {  	[sflag:s29] =	ssyncadd.s32 $0xFFFFFFFF  }
0xb5: {  	_ =	strace $0x90000048  }
0xb6: {  	_ =	sfence  }
0xb7: {  	s30 =	sld [smem:$0x0];
	_ =	sdelay $0x2  }
0xb8: {  	s31 =	sshll.u32 s1, $0xD;
	s1 =	sshrl.u32 s1, $0x2  }
0xb9: {  	s3 =	sand.u32 $0x4000, s31;
	s1 =	sadd.s32 s1, s30  }
0xba: {  	s0 =	sor.u32 s3, s0;
	s1 =	sshll.u32 s1, $0x11  }
0xbb: {  	s0 =	sor.u32 s1, s0  }
0xbc: {  	s0 =	sadd.s32 $0x8F2B, s0  }
0xbd: {  	[sflag:s0] =	ssyncadd.remote.s32 $0x1  }
0xbe: {  	_ =	sfence.sel $0xFFFF  }
0xbf: {  	[dreg:$0x0] =	wrdreg $0xFFFFFFFF;
	(pc) =	sbr.abs _section_cstart, $3  }
0xc0: {  	[dreg:$0x1] =	wrdreg $0xFFFFFFFF  }
0xc1: {  	_ =	task.clear_ibuf [dreg:s7], $0x2FFFF;
	_ =	strace $0x9FFFFFFF  }
0xc2: {  	(tm) =	ssettm $0x7FFFFFFF  }
0xc3: {  	_ =	shalt  }
tec
execute0_lowered:
.L_overlay_start_1:
0x0: {  	(tag) =	ssettag $0x1  }
0x1: {  	v0 =	vimm.s32 $0x2380  }
0x2: {  	vm7 =	vcmask $0x300;
	vm6 =	vcmask $0x704;
	vm5 =	vcmask $0xB08  }
0x3: {  	vm4 =	vcmask $0xF0C;
	vm3 =	vcmask $0x1310;
	vm2 =	vcmask $0x1714  }
0x4: {  	v1 =	vimm.s32 $0x8180;
	vm0 =	vcmask $0x1B18;
	vm1 =	vcmask $0x1F1C  }
0x5: {  	vm10 =	vcmask $0x2320;
	vm11 =	vcmask $0x2724;
	v0 =	vsel vm7, $0x0, v0  }
0x6: {  	vm9 =	vcmask $0x2B28;
	v1 =	vsel vm7, $0x4000, v1;
	v0 =	vsel vm6, $0x80, v0  }
0x7: {  	vm8 =	vcmask $0x2F2C;
	v1 =	vsel vm6, $0x4080, v1;
	v0 =	vsel vm5, $0x100, v0  }
0x8: {  	v2 =	vimm.s32 $0x0;
	v1 =	vsel vm5, $0x4100, v1;
	v0 =	vsel vm4, $0x180, v0  }
0x9: {  	vm12 =	vcmask $0x3330;
	v1 =	vsel vm4, $0x4180, v1;
	v0 =	vsel vm3, $0x200, v0  }
0xa: {  	s4 =	rddreg [dreg:$0x0];
	vm14 =	vcmask $0x3734;
	v1 =	vsel vm3, $0x6000, v1;
	v0 =	vsel vm2, $0x280, v0  }
0xb: {  	s3 =	rddreg [dreg:$0x1];
	vm15 =	vcmask $0x3B38;
	v1 =	vsel vm2, $0x6080, v1;
	v0 =	vsel vm0, $0x300, v0  }
0xc: {  	s0 =	rddreg [dreg:$0x2];
	s1 =	simm.s32 $0x0;
	s2 =	stileid.u32;
	v2 =	vsel vm7, $0x8200, v2;
	v1 =	vsel vm0, $0x6100, v1;
	v0 =	vsel vm1, $0x380, v0  }
0xd: {  	s5 =	srdreg.scid;
	s10 =	simm.s32 $0x1;
	s11 =	simm.s32 $0x2;
	v2 =	vsel vm6, $0x8280, v2;
	v1 =	vsel vm1, $0x6180, v1;
	v0 =	vsel vm10, $0x2000, v0  }
0xe: {  	s12 =	simm.s32 $0x0;
	[smem:$0x7FF] =	sst s1;
	s6 =	smul.u32 $0xC0000, s2;
	v2 =	vsel vm5, $0x8300, v2;
	v1 =	vsel vm10, $0x6200, v1;
	v0 =	vsel vm11, $0x2080, v0  }
0xf: {  	s5 =	sand.u32 $0x1, s5;
	s7 =	sshll.u32 s2, $0x1;
	_ =	strace $0x80000047;
	v2 =	vsel vm4, $0x8380, v2;
	v1 =	vsel vm11, $0x6280, v1;
	v0 =	vsel vm9, $0x2100, v0  }
0x10: {  	s8 =	ssub.s32 $0x2, s5;
	s7 =	sor.u32 s5, s7;
	s5 =	smul.u32 $0x60000, s5;
	v2 =	vsel vm3, $0xA000, v2;
	v1 =	vsel vm9, $0x6300, v1;
	v0 =	vsel vm8, $0x2180, v0  }
0x11: {  	s6 =	sadd.s32 s6, s3;
	s9 =	sshrl.u32 s8, $0x1;
	s7 =	smul.u32 $0x140, s7;
	v2 =	vsel vm2, $0xA080, v2;
	v1 =	vsel vm8, $0x6380, v1;
	v0 =	vsel vm12, $0x2200, v0  }
0x12: {  	s3 =	sadd.s32 $0x400, s3;
	s8 =	ssub.s32 s8, s9;
	s6 =	sadd.s32 s5, s6;
	v4 =	vsel vm0, $0xA100, v2;
	v3 =	vsel vm12, $0x8000, v1;
	v0 =	vsel vm14, $0x2280, v0  }
0x13: {  	s9 =	simm.s32 $0x18000;
	s4 =	sadd.s32 s4, s7;
	s5 =	smax.u32 s8, $0x1;
	v1 =	vimm.f32 $1.000000000e+00;
	v3 =	vsel vm14, $0x8080, v3;
	v0 =	vsel vm15, $0x2300, v0  }
0x14: {  	s6 =	sadd.s32 $0x3400, s6;
	s7 =	simm.s32 $0x3;
	s8 =	simm.s32 $0xC000;
	v2 =	vsel vm15, $0x8100, v3;
	v3 =	vsel vm1, $0xA180, v4;
	v4 =	vimm.f32 $0.0e+00  }
.LBB2_1:
0x15: {  	[tilespmem:s1], [sflag:$0x3] =	stream.linear.gather [hbm4b:s3+s1], $0xC000, $0x38;
	[tilespmem:$0x18A00] =	vst v63  }
0x16: {  	_ =	swait.ge [sflag:s7], $0xC000  }
0x17: {  	[sflag:s7] =	ssyncset.done $0x0  }
0x18: {  	[sflag:s7] =	ssyncadd.s32 $0xFFFF4000  }
0x19: {  	[tilespmem:s8], [sflag:$0x3] =	stream.linear.gather [hbm4b:s3+s1], $0xC000, $0x38;
	[tilespmem:$0x18A00] =	vst v63  }
0x1a: {  	_ =	swait.ge [sflag:s7], $0xC000  }
0x1b: {  	[sflag:s7] =	ssyncset.done $0x0  }
0x1c: {  	[sflag:s7] =	ssyncadd.s32 $0xFFFF4000  }
0x1d: {  	[tilespmem:s9], [sflag:$0x3] =	stream.linear.gather [hbm4b:s4+s1], $0xA00, $0x38;
	[tilespmem:$0x18A00] =	vst v63  }
0x1e: {  	_ =	swait.ge [sflag:s7], $0xA00  }
0x1f: {  	[sflag:s7] =	ssyncset.done $0x0  }
0x20: {  	s13 =	smov.u32 s6;
	s14 =	simm.s32 $0x0;
	[sflag:s7] =	ssyncadd.s32 $0xFFFFF600  }
.LBB2_2:
0x21: {  	p0 =	seq.s32 s14, $0x0  }
0x22: {  	_ =	swait.ge @!p0 [sflag:s10], $0xC000  }
0x23: {  	s15 =	simm.s32 @p0 $0x0;
	[sflag:s10] =	ssyncset.done @!p0 $0x0  }
0x24: {  	s15 =	sshra.s32 @!p0 s14, $0x2;
	[sflag:s10] =	ssyncadd.s32 @!p0 $0xFFFF4000  }
0x25: {  	v5 =	vld @!p0 [tilespmem:s15+$0x17FB0];
	_ =	sdelay $0x4  }
0x26: {  	v6 =	vshll.u32 @!p0 v5, $0x3  }
0x27: {  	v5 =	vand.u32 @!p0 $0x7F, v5;
	v6 =	vand.u32 @!p0 $0xFFFFFC00, v6  }
0x28: {  	v5 =	vor.u32 @!p0 v5, v6  }
0x29: {  	v5 =	vadd.s32 @!p0 v0, v5;
	_ =	sdelay $0x4  }
0x2a: {  	[tilespmem:v5+s1+$0x0] =	vst.idx.msk @!p0 $0xffff, v4  }
0x2b: {  	v5 =	vld @!p0 [tilespmem:s15+$0x17FC0];
	_ =	sdelay $0x4  }
0x2c: {  	v6 =	vshll.u32 @!p0 v5, $0x3  }
0x2d: {  	v5 =	vand.u32 @!p0 $0x7F, v5;
	v6 =	vand.u32 @!p0 $0xFFFFFC00, v6  }
0x2e: {  	v5 =	vor.u32 @!p0 v5, v6  }
0x2f: {  	v5 =	vadd.s32 @!p0 v2, v5;
	_ =	sdelay $0x4  }
0x30: {  	[tilespmem:v5+s1+$0x0] =	vst.idx.msk @!p0 $0xffff, v4  }
0x31: {  	v5 =	vld @!p0 [tilespmem:s15+$0x17FD0];
	_ =	sdelay $0x4  }
0x32: {  	v6 =	vshll.u32 @!p0 v5, $0x3  }
0x33: {  	v5 =	vand.u32 @!p0 $0x7F, v5;
	v6 =	vand.u32 @!p0 $0xFFFFFC00, v6  }
0x34: {  	v5 =	vor.u32 @!p0 v5, v6  }
0x35: {  	v5 =	vadd.s32 @!p0 v3, v5;
	_ =	sdelay $0x3  }
0x36: {  	s15 =	smov.u32 @!p0 s14  }
0x37: {  	s15 =	sshra.s32 s15, $0x2;
	[tilespmem:v5+s1+$0x0] =	vst.idx.msk @!p0 $0xff, v4  }
0x38: {  	v5 =	vld [tilespmem:s15+$0x18000];
	_ =	sdelay $0x4  }
0x39: {  	v6 =	vshll.u32 v5, $0x3  }
0x3a: {  	v5 =	vand.u32 $0x7F, v5;
	v6 =	vand.u32 $0xFFFFFC00, v6  }
0x3b: {  	v5 =	vor.u32 v5, v6  }
0x3c: {  	v5 =	vadd.s32 v0, v5;
	_ =	sdelay $0x4  }
0x3d: {  	[tilespmem:v5+s1+$0x0] =	vst.idx.msk $0xffff, v1  }
0x3e: {  	v5 =	vld [tilespmem:s15+$0x18010];
	_ =	sdelay $0x4  }
0x3f: {  	v6 =	vshll.u32 v5, $0x3  }
0x40: {  	v5 =	vand.u32 $0x7F, v5;
	v6 =	vand.u32 $0xFFFFFC00, v6  }
0x41: {  	v5 =	vor.u32 v5, v6  }
0x42: {  	v5 =	vadd.s32 v2, v5;
	_ =	sdelay $0x4  }
0x43: {  	[tilespmem:v5+s1+$0x0] =	vst.idx.msk $0xffff, v1  }
0x44: {  	v5 =	vld [tilespmem:s15+$0x18020];
	_ =	sdelay $0x4  }
0x45: {  	v6 =	vshll.u32 v5, $0x3  }
0x46: {  	v5 =	vand.u32 $0x7F, v5;
	v6 =	vand.u32 $0xFFFFFC00, v6  }
0x47: {  	v5 =	vor.u32 v5, v6  }
0x48: {  	v5 =	vadd.s32 v3, v5;
	_ =	sdelay $0x4  }
0x49: {  	s16 =	sadd.s32 $0xFFFFE800, s13;
	[tilespmem:v5+s1+$0x0] =	vst.idx.msk $0xff, v1  }
0x4a: {  	[hbm4b:s16+s1] =	stream.linear.scatter [tilespmem:s1], [sflag:$0x1], $0xC000, $0x38;
	[tilespmem:$0x18A00] =	vst v63  }
0x4b: {  	_ =	swait.ge @!p0 [sflag:s11], $0xC000  }
0x4c: {  	[sflag:s11] =	ssyncset.done @!p0 $0x0  }
0x4d: {  	[sflag:s11] =	ssyncadd.s32 @!p0 $0xFFFF4000  }
0x4e: {  	v5 =	vld @!p0 [tilespmem:s15+$0x17FD8];
	_ =	sdelay $0x4  }
0x4f: {  	v6 =	vshll.u32 @!p0 v5, $0x3  }
0x50: {  	v5 =	vand.u32 @!p0 $0x7F, v5;
	v6 =	vand.u32 @!p0 $0xFFFFFC00, v6  }
0x51: {  	v5 =	vor.u32 @!p0 v5, v6  }
0x52: {  	v5 =	vadd.s32 @!p0 v0, v5;
	_ =	sdelay $0x4  }
0x53: {  	[tilespmem:v5+s8+$0x0] =	vst.idx.msk @!p0 $0xffff, v4  }
0x54: {  	v5 =	vld @!p0 [tilespmem:s15+$0x17FE8];
	_ =	sdelay $0x4  }
0x55: {  	v6 =	vshll.u32 @!p0 v5, $0x3  }
0x56: {  	v5 =	vand.u32 @!p0 $0x7F, v5;
	v6 =	vand.u32 @!p0 $0xFFFFFC00, v6  }
0x57: {  	v5 =	vor.u32 @!p0 v5, v6  }
0x58: {  	v5 =	vadd.s32 @!p0 v2, v5;
	_ =	sdelay $0x4  }
0x59: {  	[tilespmem:v5+s8+$0x0] =	vst.idx.msk @!p0 $0xffff, v4  }
0x5a: {  	v5 =	vld @!p0 [tilespmem:s15+$0x17FF8];
	_ =	sdelay $0x4  }
0x5b: {  	v6 =	vshll.u32 @!p0 v5, $0x3  }
0x5c: {  	v5 =	vand.u32 @!p0 $0x7F, v5;
	v6 =	vand.u32 @!p0 $0xFFFFFC00, v6  }
0x5d: {  	v5 =	vor.u32 @!p0 v5, v6  }
0x5e: {  	v5 =	vadd.s32 @!p0 v3, v5;
	_ =	sdelay $0x4  }
0x5f: {  	s31 =	sshra.s32 s14, $0x2;
	[tilespmem:v5+s8+$0x0] =	vst.idx.msk @!p0 $0xff, v4  }
0x60: {  	v5 =	vld [tilespmem:s31+$0x18028];
	_ =	sdelay $0x4  }
0x61: {  	v6 =	vshll.u32 v5, $0x3  }
0x62: {  	v5 =	vand.u32 $0x7F, v5;
	v6 =	vand.u32 $0xFFFFFC00, v6  }
0x63: {  	v5 =	vor.u32 v5, v6  }
0x64: {  	v5 =	vadd.s32 v0, v5;
	_ =	sdelay $0x4  }
0x65: {  	[tilespmem:v5+s8+$0x0] =	vst.idx.msk $0xffff, v1  }
0x66: {  	v5 =	vld [tilespmem:s31+$0x18038];
	_ =	sdelay $0x4  }
0x67: {  	v6 =	vshll.u32 v5, $0x3  }
0x68: {  	v5 =	vand.u32 $0x7F, v5;
	v6 =	vand.u32 $0xFFFFFC00, v6  }
0x69: {  	v5 =	vor.u32 v5, v6  }
0x6a: {  	v5 =	vadd.s32 v2, v5;
	_ =	sdelay $0x4  }
0x6b: {  	[tilespmem:v5+s8+$0x0] =	vst.idx.msk $0xffff, v1  }
0x6c: {  	v5 =	vld [tilespmem:s31+$0x18048];
	_ =	sdelay $0x4  }
0x6d: {  	v6 =	vshll.u32 v5, $0x3  }
0x6e: {  	v5 =	vand.u32 $0x7F, v5;
	v6 =	vand.u32 $0xFFFFFC00, v6  }
0x6f: {  	v5 =	vor.u32 v5, v6  }
0x70: {  	v5 =	vadd.s32 v3, v5  }
0x71: {  	s14 =	sadd.s32 $0x140, s14  }
0x72: {  	p0 =	sne.s32 s14, $0x2800  }
.Ltmp0:
0x73: {  	_ = 	snop;
	(pc) =	sbr.rel @p0 .LBB2_2-.Ltmp0, $4  }
0x74: {  	_ = 	snop  }
0x75: {  	[tilespmem:v5+s8+$0x0] =	vst.idx.msk $0xff, v1  }
0x76: {  	[hbm4b:s13+s1] =	stream.linear.scatter [tilespmem:s8], [sflag:$0x2], $0xC000, $0x38;
	[tilespmem:$0x18A00] =	vst v63  }
0x77: {  	s13 =	sadd.s32 $0x3000, s13  }
0x78: {  	s12 =	sadd.s32 $0x1, s12  }
0x79: {  	_ =	swait.ge [sflag:s10], $0xC000;
	p0 =	sne.s32 s12, s5  }
.Ltmp1:
0x7a: {  	[sflag:s10] =	ssyncset.done $0x0;
	(pc) =	sbr.rel @p0 .LBB2_1-.Ltmp1, $4  }
0x7b: {  	[sflag:s10] =	ssyncadd.s32 $0xFFFF4000  }
0x7c: {  	_ =	swait.ge [sflag:s11], $0xC000  }
0x7d: {  	[sflag:s11] =	ssyncset.done $0x0  }
0x7e: {  	[sflag:s11] =	ssyncadd.s32 $0xFFFF4000  }
0x7f: {  	_ =	sfence.sel $0x180000  }
0x80: {  	[bflag:$0x0] =	sbarrier.arrive $0xFFFF  }
0x81: {  	p0 =	sne.s32 s2, $0x0;
	_ =	strace $0x90000047  }
0x82: {  	s0 =	sadd.s32 @!p0 $0x100000, s0;
	[bflag:$0x2] =	sbarrier.arrive $0xFFFF  }
0x83: {  	[sflag:s0] =	ssyncadd.tile.s32 @!p0 $0x1;
	_ =	shalt  }
.Lfunc_end2:
_tile_overlayer_lowered:
.L_overlay_start_2:
0x84: {  	(tag) =	ssettag $0x2  }
0x85: {  	s0 =	rddreg [dreg:$0x0];
	s2 =	stileid.u32  }
0x86: {  	s1 =	rddreg [dreg:$0x1];
	p0 =	sne.s32 s2, $0x0  }
0x87: {  	s3 =	rddreg [dreg:$0x2];
	[bflag:$0x3] =	sbarrier.arrive $0xFFFF;
	s2 =	simm.s32 @!p0 $0x1C03  }
0x88: {  	[timem:s3], [sflag:s2] =	dma.local @!p0 [hbm:s0], s1  }
0x89: {  	s0 =	simm.s32 @!p0 $0x3  }
0x8a: {  	_ =	swait.ge @!p0 [sflag:s0], s1  }
0x8b: {  	s1 =	ssub.s32 @!p0 $0x0, s1;
	[sflag:s0] =	ssyncset.done @!p0 $0x0  }
0x8c: {  	[sflag:s0] =	ssyncadd.s32 @!p0 s1  }
0x8d: {  	[bflag:$0x3] =	sbarrier.arrive $0xFFFF  }
0x8e: {  	_ =	shalt  }

</sc_bundles>
